<compile_context>
chip_gen: v7x
topology: tpu7x:2x2x1
jax: 0.10.2.dev20260603
libtpu: 0.0.44.dev20260713+nightly
codegen_flags: <defaults>
</compile_context>

<pallas_src>
import functools

import jax
import jax.numpy as jnp
from jax import lax
from jax.experimental import pallas as pl
from jax.experimental.pallas import tpu as pltpu
from jax.experimental.pallas import tpu_sc as plsc

_RANK = 32
_DIM = 128
_PACK = _DIM // _RANK


def _sc_gather_packed(table, idx_flat, n_rows):
    info = plsc.get_sparse_core_info()
    nc, ns = info.num_cores, info.num_subcores
    nw = nc * ns
    b_per_w = n_rows // nw
    chunk = 1600
    q = chunk // _PACK
    n_chunks = b_per_w // chunk
    mesh = plsc.VectorSubcoreMesh(core_axis_name="c", subcore_axis_name="s")

    @functools.partial(
        pl.kernel,
        mesh=mesh,
        compiler_params=pltpu.CompilerParams(use_tc_tiling_on_sc=False),
        out_type=jax.ShapeDtypeStruct((n_rows // _PACK, _DIM), jnp.float32),
        scratch_types=[
            pltpu.VMEM((chunk,), jnp.int32),
            pltpu.VMEM((chunk, _RANK), jnp.float32),
            pltpu.SemaphoreType.DMA,
            pltpu.SemaphoreType.DMA,
        ],
    )
    def gather_k(table_hbm, idx_hbm, out_hbm, idx_v, rows_v, sem, sem2):
        wid = lax.axis_index("s") * nc + lax.axis_index("c")
        base = wid * b_per_w

        def body(i, carry):
            off = base + i * chunk
            pltpu.sync_copy(idx_hbm.at[pl.ds(off, chunk)], idx_v)
            copies = []
            for p in range(_PACK):
                copies.append(
                    pltpu.async_copy(
                        table_hbm.at[idx_v.at[pl.ds(p * q, q)]],
                        rows_v.at[pl.ds(p * q, q), :],
                        sem,
                    )
                )
            for c in copies:
                c.wait()
            out_base = off // _PACK
            wbs = []
            for p in range(_PACK):
                wbs.append(
                    pltpu.async_copy(
                        rows_v.at[pl.ds(p * q, q), :],
                        out_hbm.at[pl.ds(out_base, q), pl.ds(p * _RANK, _RANK)],
                        sem2,
                    )
                )
            for c in wbs:
                c.wait()
            return carry

        lax.fori_loop(0, n_chunks, body, 0)

    return gather_k(table, idx_flat)


def _tc_project(rows4, m_blockdiag, n_rows):
    q = 400
    grid = (n_rows // _PACK) // q

    def mm_k(rows_ref, m_ref, out_ref):
        y = jnp.dot(rows_ref[...], m_ref[...], preferred_element_type=jnp.float32)
        for p in range(_PACK):
            out_ref[pl.ds(p * q, q), :] = y[:, p * _DIM : (p + 1) * _DIM]

    return pl.pallas_call(
        mm_k,
        grid=(grid,),
        in_specs=[
            pl.BlockSpec((q, _DIM), lambda i: (i, 0)),
            pl.BlockSpec((_DIM, _PACK * _DIM), lambda i: (0, 0)),
        ],
        out_specs=pl.BlockSpec((_PACK * q, _DIM), lambda i: (i, 0)),
        out_shape=jax.ShapeDtypeStruct((n_rows, _DIM), jnp.float32),
    )(rows4, m_blockdiag)


def kernel(input, emb_table, linear_w):
    b, h = input.shape
    n_rows = b * h
    idx_flat = input.T.reshape(n_rows).astype(jnp.int32)
    rows4 = _sc_gather_packed(emb_table, idx_flat, n_rows)
    wt = linear_w.T
    m_blockdiag = jax.scipy.linalg.block_diag(*([wt] * _PACK))
    out = _tc_project(rows4, m_blockdiag, n_rows)
    return out.reshape(h, b, _DIM).transpose(1, 0, 2)

# --- scband reference (transcript-rebuilt; emitter-appended) ---
"""Pipeline reference for scband-factorized-embeddings-9028021256875 (READ-ONLY COPY).

The authoritative reference and input builder live on the scoring server;
editing this copy changes nothing except your own understanding.
"""

import jax, jax.numpy as jnp
import numpy as np

NUM_EMBEDDINGS = 1000000
EMBEDDING_DIM = 128
RANK = 32
BATCH = 4096
HIST = 50


def setup_inputs(seed: int = 0) -> dict:
    key = jax.random.key(seed)
    k1, k2, k3 = jax.random.split(key, 3)
    inp = jax.random.randint(k1, (BATCH, HIST), 0, NUM_EMBEDDINGS, dtype=jnp.int64 if jax.config.jax_enable_x64 else jnp.int32)
    emb_table = jax.random.normal(k2, (NUM_EMBEDDINGS, RANK), dtype=jnp.float32) * 0.02
    # nn.Linear(rank, embedding_dim, bias=False): weight shape [embedding_dim, rank]
    linear_w = jax.random.normal(k3, (EMBEDDING_DIM, RANK), dtype=jnp.float32) * 0.02
    return {"input": inp, "emb_table": emb_table, "linear_w": linear_w}


def reference(input, emb_table, linear_w):
    # factorized path: low-rank embedding lookup then linear projection
    low_rank_hidden = jnp.take(emb_table, input, axis=0)  # [B, L, rank]
    final_embedding = low_rank_hidden @ linear_w.T  # [B, L, embedding_dim]
    return final_embedding

if __name__ == "__main__":
    import jax
    _d = setup_inputs()
    print(jax.jit(kernel)(*tuple(_d.values())))

</pallas_src>

<mosaic_0001>
#map = affine_map<(d0, d1) -> (0, 0)>
#map1 = affine_map<(d0, d1) -> (0)>
module attributes {stable_mosaic.version = 14 : i64} {
  func.func @gather_k(%arg0: i32, %arg1: i32, %arg2: memref<1000000x32xf32, #tpu.memory_space<hbm>>, %arg3: memref<204800xi32, #tpu.memory_space<hbm>>, %arg4: memref<51200x128xf32, #tpu.memory_space<hbm>>, %arg5: memref<1600xi32, #tpu.memory_space<vmem>>, %arg6: memref<1600x32xf32, #tpu.memory_space<vmem>>, %arg7: memref<!tpu.dma_semaphore, #tpu.memory_space<semaphore_mem>>, %arg8: memref<!tpu.dma_semaphore, #tpu.memory_space<semaphore_mem>>) attributes {dimension_semantics = [#tpu.dimension_semantics<core_parallel>, #tpu.dimension_semantics<subcore_parallel>], iteration_bounds = array<i64: 2, 16>, scalar_prefetch = 0 : i64, scratch_operands = 4 : i64, tpu.core_type = #tpu.core_type<sc_vector_subcore>, window_params = [{transform_indices = #map}, {transform_indices = #map1}, {transform_indices = #map}]} {
    %mul3A = arith.constant 2 : i32
    %mul3A_0 = arith.muli %arg1, %mul3A : i32
    %add3A = arith.addi %mul3A_0, %arg0 : i32
    %mul3A_1 = arith.constant 6400 : i32
    %mul3A_2 = arith.muli %add3A, %mul3A_1 : i32
    %scan3A = arith.constant 0 : i32
    %scan3A_3 = arith.constant 0 : i32
    %scan3A_4 = arith.constant 4 : i32
    %scan3A_5 = arith.addi %scan3A_3, %scan3A_4 : i32
    %scan3A_6 = arith.constant 1 : i32
    scf.for %scan3A_8 = %scan3A_3 to %scan3A_5 step %scan3A_6  : i32 {
      %mul3A_9 = arith.constant 1600 : i32
      %mul3A_10 = arith.muli %scan3A_8, %mul3A_9 : i32
      %add3A_11 = arith.addi %mul3A_2, %mul3A_10 : i32
      "tpu.region"() ({
        %run_scoped3A = tpu.sem_alloc : memref<!tpu.dma_semaphore, #tpu.memory_space<semaphore_mem>>
        %dma_start3A_170 = tpu.memref_slice %arg3[%add3A_11] : memref<204800xi32, #tpu.memory_space<hbm>> -> memref<1600xi32, #tpu.memory_space<hbm>>
        %dma_start3A_171 = tpu.memref_slice %arg3[%add3A_11] : memref<204800xi32, #tpu.memory_space<hbm>> -> memref<1600xi32, #tpu.memory_space<hbm>>
        tpu.enqueue_dma source(%dma_start3A_171 : memref<1600xi32, #tpu.memory_space<hbm>>) target(%arg5 : memref<1600xi32, #tpu.memory_space<vmem>>) target_semaphore(%run_scoped3A : memref<!tpu.dma_semaphore, #tpu.memory_space<semaphore_mem>>)
        %dma_wait3A_172 = tpu.memref_slice %arg3[%add3A_11] : memref<204800xi32, #tpu.memory_space<hbm>> -> memref<1600xi32, #tpu.memory_space<hbm>>
        %dma_wait3A_173 = tpu.memref_slice %arg3[%add3A_11] : memref<204800xi32, #tpu.memory_space<hbm>> -> memref<1600xi32, #tpu.memory_space<hbm>>
        tpu.wait_dma2 semaphore(%run_scoped3A : memref<!tpu.dma_semaphore, #tpu.memory_space<semaphore_mem>>) src(%dma_wait3A_173 : memref<1600xi32, #tpu.memory_space<hbm>>) dst(%arg5 : memref<1600xi32, #tpu.memory_space<vmem>>)
        tpu.yield
      }) : () -> ()
      %dma_start3A = arith.constant 0 : i32
      %dma_start3A_12 = arith.constant 0 : i32
      %dma_start3A_13 = tpu.memref_slice %arg6[%dma_start3A, %dma_start3A_12] : memref<1600x32xf32, #tpu.memory_space<vmem>> -> memref<400x32xf32, #tpu.memory_space<vmem>>
      %dma_start3A_14 = arith.constant 0 : i32
      %dma_start3A_15 = tpu.memref_slice %arg5[%dma_start3A_14] : memref<1600xi32, #tpu.memory_space<vmem>> -> memref<400xi32, #tpu.memory_space<vmem>>
      %dma_start3A_16 = arith.constant 0 : i32
      %dma_start3A_17 = arith.constant 0 : i32
      %dma_start3A_18 = tpu.memref_slice %arg2[%dma_start3A_16, %dma_start3A_17] : memref<1000000x32xf32, #tpu.memory_space<hbm>> -> memref<1000000x32xf32, #tpu.memory_space<hbm>>
      tpu.enqueue_indirect_dma source(%dma_start3A_18 : memref<1000000x32xf32, #tpu.memory_space<hbm>>) target(%dma_start3A_13 : memref<400x32xf32, #tpu.memory_space<vmem>>) offsets(%dma_start3A_15 : memref<400xi32, #tpu.memory_space<vmem>>) semaphore(%arg7 : memref<!tpu.dma_semaphore, #tpu.memory_space<semaphore_mem>>)
      %dma_start3A_19 = arith.constant 400 : i32
      %dma_start3A_20 = arith.constant 0 : i32
      %dma_start3A_21 = tpu.memref_slice %arg6[%dma_start3A_19, %dma_start3A_20] : memref<1600x32xf32, #tpu.memory_space<vmem>> -> memref<400x32xf32, #tpu.memory_space<vmem>>
      %dma_start3A_22 = arith.constant 400 : i32
      %dma_start3A_23 = tpu.memref_slice %arg5[%dma_start3A_22] : memref<1600xi32, #tpu.memory_space<vmem>> -> memref<400xi32, #tpu.memory_space<vmem>>
      %dma_start3A_24 = arith.constant 0 : i32
      %dma_start3A_25 = arith.constant 0 : i32
      %dma_start3A_26 = tpu.memref_slice %arg2[%dma_start3A_24, %dma_start3A_25] : memref<1000000x32xf32, #tpu.memory_space<hbm>> -> memref<1000000x32xf32, #tpu.memory_space<hbm>>
      tpu.enqueue_indirect_dma source(%dma_start3A_26 : memref<1000000x32xf32, #tpu.memory_space<hbm>>) target(%dma_start3A_21 : memref<400x32xf32, #tpu.memory_space<vmem>>) offsets(%dma_start3A_23 : memref<400xi32, #tpu.memory_space<vmem>>) semaphore(%arg7 : memref<!tpu.dma_semaphore, #tpu.memory_space<semaphore_mem>>)
      %dma_start3A_27 = arith.constant 800 : i32
      %dma_start3A_28 = arith.constant 0 : i32
      %dma_start3A_29 = tpu.memref_slice %arg6[%dma_start3A_27, %dma_start3A_28] : memref<1600x32xf32, #tpu.memory_space<vmem>> -> memref<400x32xf32, #tpu.memory_space<vmem>>
      %dma_start3A_30 = arith.constant 800 : i32
      %dma_start3A_31 = tpu.memref_slice %arg5[%dma_start3A_30] : memref<1600xi32, #tpu.memory_space<vmem>> -> memref<400xi32, #tpu.memory_space<vmem>>
      %dma_start3A_32 = arith.constant 0 : i32
      %dma_start3A_33 = arith.constant 0 : i32
      %dma_start3A_34 = tpu.memref_slice %arg2[%dma_start3A_32, %dma_start3A_33] : memref<1000000x32xf32, #tpu.memory_space<hbm>> -> memref<1000000x32xf32, #tpu.memory_space<hbm>>
      tpu.enqueue_indirect_dma source(%dma_start3A_34 : memref<1000000x32xf32, #tpu.memory_space<hbm>>) target(%dma_start3A_29 : memref<400x32xf32, #tpu.memory_space<vmem>>) offsets(%dma_start3A_31 : memref<400xi32, #tpu.memory_space<vmem>>) semaphore(%arg7 : memref<!tpu.dma_semaphore, #tpu.memory_space<semaphore_mem>>)
      %dma_start3A_35 = arith.constant 1200 : i32
      %dma_start3A_36 = arith.constant 0 : i32
      %dma_start3A_37 = tpu.memref_slice %arg6[%dma_start3A_35, %dma_start3A_36] : memref<1600x32xf32, #tpu.memory_space<vmem>> -> memref<400x32xf32, #tpu.memory_space<vmem>>
      %dma_start3A_38 = arith.constant 1200 : i32
      %dma_start3A_39 = tpu.memref_slice %arg5[%dma_start3A_38] : memref<1600xi32, #tpu.memory_space<vmem>> -> memref<400xi32, #tpu.memory_space<vmem>>
      %dma_start3A_40 = arith.constant 0 : i32
      %dma_start3A_41 = arith.constant 0 : i32
      %dma_start3A_42 = tpu.memref_slice %arg2[%dma_start3A_40, %dma_start3A_41] : memref<1000000x32xf32, #tpu.memory_space<hbm>> -> memref<1000000x32xf32, #tpu.memory_space<hbm>>
      tpu.enqueue_indirect_dma source(%dma_start3A_42 : memref<1000000x32xf32, #tpu.memory_space<hbm>>) target(%dma_start3A_37 : memref<400x32xf32, #tpu.memory_space<vmem>>) offsets(%dma_start3A_39 : memref<400xi32, #tpu.memory_space<vmem>>) semaphore(%arg7 : memref<!tpu.dma_semaphore, #tpu.memory_space<semaphore_mem>>)
      %dma_wait3A = arith.constant 0 : i32
      %dma_wait3A_43 = arith.constant 0 : i32
      %dma_wait3A_44 = tpu.memref_slice %arg6[%dma_wait3A, %dma_wait3A_43] : memref<1600x32xf32, #tpu.memory_space<vmem>> -> memref<400x32xf32, #tpu.memory_space<vmem>>
      %dma_wait3A_45 = arith.constant 0 : i32
      %dma_wait3A_46 = tpu.memref_slice %arg5[%dma_wait3A_45] : memref<1600xi32, #tpu.memory_space<vmem>> -> memref<400xi32, #tpu.memory_space<vmem>>
      %dma_wait3A_47 = arith.constant 0 : i32
      %dma_wait3A_48 = arith.constant 0 : i32
      %dma_wait3A_49 = tpu.memref_slice %arg2[%dma_wait3A_47, %dma_wait3A_48] : memref<1000000x32xf32, #tpu.memory_space<hbm>> -> memref<1000000x32xf32, #tpu.memory_space<hbm>>
      tpu.wait_indirect_dma semaphore(%arg7 : memref<!tpu.dma_semaphore, #tpu.memory_space<semaphore_mem>>) src(%dma_wait3A_49 : memref<1000000x32xf32, #tpu.memory_space<hbm>>) dst(%dma_wait3A_44 : memref<400x32xf32, #tpu.memory_space<vmem>>)
      %dma_wait3A_50 = arith.constant 400 : i32
      %dma_wait3A_51 = arith.constant 0 : i32
      %dma_wait3A_52 = tpu.memref_slice %arg6[%dma_wait3A_50, %dma_wait3A_51] : memref<1600x32xf32, #tpu.memory_space<vmem>> -> memref<400x32xf32, #tpu.memory_space<vmem>>
      %dma_wait3A_53 = arith.constant 400 : i32
      %dma_wait3A_54 = tpu.memref_slice %arg5[%dma_wait3A_53] : memref<1600xi32, #tpu.memory_space<vmem>> -> memref<400xi32, #tpu.memory_space<vmem>>
      %dma_wait3A_55 = arith.constant 0 : i32
      %dma_wait3A_56 = arith.constant 0 : i32
      %dma_wait3A_57 = tpu.memref_slice %arg2[%dma_wait3A_55, %dma_wait3A_56] : memref<1000000x32xf32, #tpu.memory_space<hbm>> -> memref<1000000x32xf32, #tpu.memory_space<hbm>>
      tpu.wait_indirect_dma semaphore(%arg7 : memref<!tpu.dma_semaphore, #tpu.memory_space<semaphore_mem>>) src(%dma_wait3A_57 : memref<1000000x32xf32, #tpu.memory_space<hbm>>) dst(%dma_wait3A_52 : memref<400x32xf32, #tpu.memory_space<vmem>>)
      %dma_wait3A_58 = arith.constant 800 : i32
      %dma_wait3A_59 = arith.constant 0 : i32
      %dma_wait3A_60 = tpu.memref_slice %arg6[%dma_wait3A_58, %dma_wait3A_59] : memref<1600x32xf32, #tpu.memory_space<vmem>> -> memref<400x32xf32, #tpu.memory_space<vmem>>
      %dma_wait3A_61 = arith.constant 800 : i32
      %dma_wait3A_62 = tpu.memref_slice %arg5[%dma_wait3A_61] : memref<1600xi32, #tpu.memory_space<vmem>> -> memref<400xi32, #tpu.memory_space<vmem>>
      %dma_wait3A_63 = arith.constant 0 : i32
      %dma_wait3A_64 = arith.constant 0 : i32
      %dma_wait3A_65 = tpu.memref_slice %arg2[%dma_wait3A_63, %dma_wait3A_64] : memref<1000000x32xf32, #tpu.memory_space<hbm>> -> memref<1000000x32xf32, #tpu.memory_space<hbm>>
      tpu.wait_indirect_dma semaphore(%arg7 : memref<!tpu.dma_semaphore, #tpu.memory_space<semaphore_mem>>) src(%dma_wait3A_65 : memref<1000000x32xf32, #tpu.memory_space<hbm>>) dst(%dma_wait3A_60 : memref<400x32xf32, #tpu.memory_space<vmem>>)
      %dma_wait3A_66 = arith.constant 1200 : i32
      %dma_wait3A_67 = arith.constant 0 : i32
      %dma_wait3A_68 = tpu.memref_slice %arg6[%dma_wait3A_66, %dma_wait3A_67] : memref<1600x32xf32, #tpu.memory_space<vmem>> -> memref<400x32xf32, #tpu.memory_space<vmem>>
      %dma_wait3A_69 = arith.constant 1200 : i32
      %dma_wait3A_70 = tpu.memref_slice %arg5[%dma_wait3A_69] : memref<1600xi32, #tpu.memory_space<vmem>> -> memref<400xi32, #tpu.memory_space<vmem>>
      %dma_wait3A_71 = arith.constant 0 : i32
      %dma_wait3A_72 = arith.constant 0 : i32
      %dma_wait3A_73 = tpu.memref_slice %arg2[%dma_wait3A_71, %dma_wait3A_72] : memref<1000000x32xf32, #tpu.memory_space<hbm>> -> memref<1000000x32xf32, #tpu.memory_space<hbm>>
      tpu.wait_indirect_dma semaphore(%arg7 : memref<!tpu.dma_semaphore, #tpu.memory_space<semaphore_mem>>) src(%dma_wait3A_73 : memref<1000000x32xf32, #tpu.memory_space<hbm>>) dst(%dma_wait3A_68 : memref<400x32xf32, #tpu.memory_space<vmem>>)
      %jit3A = arith.constant 4 : i32
      %div3A = arith.divsi %add3A_11, %jit3A : i32
      %sign3A = arith.constant 0 : i32
      %sign3A_74 = arith.cmpi sgt, %add3A_11, %sign3A : i32
      %sign3A_75 = arith.extui %sign3A_74 : i1 to i32
      %sign3A_76 = arith.constant 0 : i32
      %sign3A_77 = arith.cmpi slt, %add3A_11, %sign3A_76 : i32
      %sign3A_78 = arith.extui %sign3A_77 : i1 to i32
      %sign3A_79 = arith.subi %sign3A_75, %sign3A_78 : i32
      %sign3A_80 = arith.constant 0 : i32
      %sign3A_81 = arith.cmpi sgt, %jit3A, %sign3A_80 : i32
      %sign3A_82 = arith.extui %sign3A_81 : i1 to i32
      %sign3A_83 = arith.constant 0 : i32
      %sign3A_84 = arith.cmpi slt, %jit3A, %sign3A_83 : i32
      %sign3A_85 = arith.extui %sign3A_84 : i1 to i32
      %sign3A_86 = arith.subi %sign3A_82, %sign3A_85 : i32
      %ne3A = arith.cmpi ne, %sign3A_79, %sign3A_86 : i32
      %rem3A = arith.remsi %add3A_11, %jit3A : i32
      %ne3A_87 = arith.constant 0 : i32
      %ne3A_88 = arith.cmpi ne, %rem3A, %ne3A_87 : i32
      %and3A = arith.andi %ne3A, %ne3A_88 : i1
      %sub3A = arith.constant 1 : i32
      %sub3A_89 = arith.subi %div3A, %sub3A : i32
      %select_n3A = arith.select %and3A, %sub3A_89, %div3A : i32
      %dma_start3A_90 = arith.constant 0 : i32
      %dma_start3A_91 = arith.constant 0 : i32
      %dma_start3A_92 = tpu.memref_slice %arg6[%dma_start3A_90, %dma_start3A_91] : memref<1600x32xf32, #tpu.memory_space<vmem>> -> memref<400x32xf32, #tpu.memory_space<vmem>>
      %dma_start3A_93 = arith.constant 0 : i32
      %dma_start3A_94 = tpu.memref_slice %arg4[%select_n3A, %dma_start3A_93] : memref<51200x128xf32, #tpu.memory_space<hbm>> -> memref<400x32xf32, #tpu.memory_space<hbm>>
      %dma_start3A_95 = arith.constant 0 : i32
      %dma_start3A_96 = tpu.memref_slice %arg4[%select_n3A, %dma_start3A_95] : memref<51200x128xf32, #tpu.memory_space<hbm>> -> memref<400x32xf32, #tpu.memory_space<hbm>>
      %dma_start3A_97 = arith.constant 0 : i32
      %dma_start3A_98 = arith.constant 0 : i32
      %dma_start3A_99 = tpu.memref_slice %arg6[%dma_start3A_97, %dma_start3A_98] : memref<1600x32xf32, #tpu.memory_space<vmem>> -> memref<400x32xf32, #tpu.memory_space<vmem>>
      tpu.enqueue_dma source(%dma_start3A_99 : memref<400x32xf32, #tpu.memory_space<vmem>>) target(%dma_start3A_96 : memref<400x32xf32, #tpu.memory_space<hbm>>) target_semaphore(%arg8 : memref<!tpu.dma_semaphore, #tpu.memory_space<semaphore_mem>>)
      %dma_start3A_100 = arith.constant 400 : i32
      %dma_start3A_101 = arith.constant 0 : i32
      %dma_start3A_102 = tpu.memref_slice %arg6[%dma_start3A_100, %dma_start3A_101] : memref<1600x32xf32, #tpu.memory_space<vmem>> -> memref<400x32xf32, #tpu.memory_space<vmem>>
      %dma_start3A_103 = arith.constant 32 : i32
      %dma_start3A_104 = tpu.memref_slice %arg4[%select_n3A, %dma_start3A_103] : memref<51200x128xf32, #tpu.memory_space<hbm>> -> memref<400x32xf32, #tpu.memory_space<hbm>>
      %dma_start3A_105 = arith.constant 32 : i32
      %dma_start3A_106 = tpu.memref_slice %arg4[%select_n3A, %dma_start3A_105] : memref<51200x128xf32, #tpu.memory_space<hbm>> -> memref<400x32xf32, #tpu.memory_space<hbm>>
      %dma_start3A_107 = arith.constant 400 : i32
      %dma_start3A_108 = arith.constant 0 : i32
      %dma_start3A_109 = tpu.memref_slice %arg6[%dma_start3A_107, %dma_start3A_108] : memref<1600x32xf32, #tpu.memory_space<vmem>> -> memref<400x32xf32, #tpu.memory_space<vmem>>
      tpu.enqueue_dma source(%dma_start3A_109 : memref<400x32xf32, #tpu.memory_space<vmem>>) target(%dma_start3A_106 : memref<400x32xf32, #tpu.memory_space<hbm>>) target_semaphore(%arg8 : memref<!tpu.dma_semaphore, #tpu.memory_space<semaphore_mem>>)
      %dma_start3A_110 = arith.constant 800 : i32
      %dma_start3A_111 = arith.constant 0 : i32
      %dma_start3A_112 = tpu.memref_slice %arg6[%dma_start3A_110, %dma_start3A_111] : memref<1600x32xf32, #tpu.memory_space<vmem>> -> memref<400x32xf32, #tpu.memory_space<vmem>>
      %dma_start3A_113 = arith.constant 64 : i32
      %dma_start3A_114 = tpu.memref_slice %arg4[%select_n3A, %dma_start3A_113] : memref<51200x128xf32, #tpu.memory_space<hbm>> -> memref<400x32xf32, #tpu.memory_space<hbm>>
      %dma_start3A_115 = arith.constant 64 : i32
      %dma_start3A_116 = tpu.memref_slice %arg4[%select_n3A, %dma_start3A_115] : memref<51200x128xf32, #tpu.memory_space<hbm>> -> memref<400x32xf32, #tpu.memory_space<hbm>>
      %dma_start3A_117 = arith.constant 800 : i32
      %dma_start3A_118 = arith.constant 0 : i32
      %dma_start3A_119 = tpu.memref_slice %arg6[%dma_start3A_117, %dma_start3A_118] : memref<1600x32xf32, #tpu.memory_space<vmem>> -> memref<400x32xf32, #tpu.memory_space<vmem>>
      tpu.enqueue_dma source(%dma_start3A_119 : memref<400x32xf32, #tpu.memory_space<vmem>>) target(%dma_start3A_116 : memref<400x32xf32, #tpu.memory_space<hbm>>) target_semaphore(%arg8 : memref<!tpu.dma_semaphore, #tpu.memory_space<semaphore_mem>>)
      %dma_start3A_120 = arith.constant 1200 : i32
      %dma_start3A_121 = arith.constant 0 : i32
      %dma_start3A_122 = tpu.memref_slice %arg6[%dma_start3A_120, %dma_start3A_121] : memref<1600x32xf32, #tpu.memory_space<vmem>> -> memref<400x32xf32, #tpu.memory_space<vmem>>
      %dma_start3A_123 = arith.constant 96 : i32
      %dma_start3A_124 = tpu.memref_slice %arg4[%select_n3A, %dma_start3A_123] : memref<51200x128xf32, #tpu.memory_space<hbm>> -> memref<400x32xf32, #tpu.memory_space<hbm>>
      %dma_start3A_125 = arith.constant 96 : i32
      %dma_start3A_126 = tpu.memref_slice %arg4[%select_n3A, %dma_start3A_125] : memref<51200x128xf32, #tpu.memory_space<hbm>> -> memref<400x32xf32, #tpu.memory_space<hbm>>
      %dma_start3A_127 = arith.constant 1200 : i32
      %dma_start3A_128 = arith.constant 0 : i32
      %dma_start3A_129 = tpu.memref_slice %arg6[%dma_start3A_127, %dma_start3A_128] : memref<1600x32xf32, #tpu.memory_space<vmem>> -> memref<400x32xf32, #tpu.memory_space<vmem>>
      tpu.enqueue_dma source(%dma_start3A_129 : memref<400x32xf32, #tpu.memory_space<vmem>>) target(%dma_start3A_126 : memref<400x32xf32, #tpu.memory_space<hbm>>) target_semaphore(%arg8 : memref<!tpu.dma_semaphore, #tpu.memory_space<semaphore_mem>>)
      %dma_wait3A_130 = arith.constant 0 : i32
      %dma_wait3A_131 = arith.constant 0 : i32
      %dma_wait3A_132 = tpu.memref_slice %arg6[%dma_wait3A_130, %dma_wait3A_131] : memref<1600x32xf32, #tpu.memory_space<vmem>> -> memref<400x32xf32, #tpu.memory_space<vmem>>
      %dma_wait3A_133 = arith.constant 0 : i32
      %dma_wait3A_134 = tpu.memref_slice %arg4[%select_n3A, %dma_wait3A_133] : memref<51200x128xf32, #tpu.memory_space<hbm>> -> memref<400x32xf32, #tpu.memory_space<hbm>>
      %dma_wait3A_135 = arith.constant 0 : i32
      %dma_wait3A_136 = tpu.memref_slice %arg4[%select_n3A, %dma_wait3A_135] : memref<51200x128xf32, #tpu.memory_space<hbm>> -> memref<400x32xf32, #tpu.memory_space<hbm>>
      %dma_wait3A_137 = arith.constant 0 : i32
      %dma_wait3A_138 = arith.constant 0 : i32
      %dma_wait3A_139 = tpu.memref_slice %arg6[%dma_wait3A_137, %dma_wait3A_138] : memref<1600x32xf32, #tpu.memory_space<vmem>> -> memref<400x32xf32, #tpu.memory_space<vmem>>
      tpu.wait_dma2 semaphore(%arg8 : memref<!tpu.dma_semaphore, #tpu.memory_space<semaphore_mem>>) src(%dma_wait3A_139 : memref<400x32xf32, #tpu.memory_space<vmem>>) dst(%dma_wait3A_136 : memref<400x32xf32, #tpu.memory_space<hbm>>)
      %dma_wait3A_140 = arith.constant 400 : i32
      %dma_wait3A_141 = arith.constant 0 : i32
      %dma_wait3A_142 = tpu.memref_slice %arg6[%dma_wait3A_140, %dma_wait3A_141] : memref<1600x32xf32, #tpu.memory_space<vmem>> -> memref<400x32xf32, #tpu.memory_space<vmem>>
      %dma_wait3A_143 = arith.constant 32 : i32
      %dma_wait3A_144 = tpu.memref_slice %arg4[%select_n3A, %dma_wait3A_143] : memref<51200x128xf32, #tpu.memory_space<hbm>> -> memref<400x32xf32, #tpu.memory_space<hbm>>
      %dma_wait3A_145 = arith.constant 32 : i32
      %dma_wait3A_146 = tpu.memref_slice %arg4[%select_n3A, %dma_wait3A_145] : memref<51200x128xf32, #tpu.memory_space<hbm>> -> memref<400x32xf32, #tpu.memory_space<hbm>>
      %dma_wait3A_147 = arith.constant 400 : i32
      %dma_wait3A_148 = arith.constant 0 : i32
      %dma_wait3A_149 = tpu.memref_slice %arg6[%dma_wait3A_147, %dma_wait3A_148] : memref<1600x32xf32, #tpu.memory_space<vmem>> -> memref<400x32xf32, #tpu.memory_space<vmem>>
      tpu.wait_dma2 semaphore(%arg8 : memref<!tpu.dma_semaphore, #tpu.memory_space<semaphore_mem>>) src(%dma_wait3A_149 : memref<400x32xf32, #tpu.memory_space<vmem>>) dst(%dma_wait3A_146 : memref<400x32xf32, #tpu.memory_space<hbm>>)
      %dma_wait3A_150 = arith.constant 800 : i32
      %dma_wait3A_151 = arith.constant 0 : i32
      %dma_wait3A_152 = tpu.memref_slice %arg6[%dma_wait3A_150, %dma_wait3A_151] : memref<1600x32xf32, #tpu.memory_space<vmem>> -> memref<400x32xf32, #tpu.memory_space<vmem>>
      %dma_wait3A_153 = arith.constant 64 : i32
      %dma_wait3A_154 = tpu.memref_slice %arg4[%select_n3A, %dma_wait3A_153] : memref<51200x128xf32, #tpu.memory_space<hbm>> -> memref<400x32xf32, #tpu.memory_space<hbm>>
      %dma_wait3A_155 = arith.constant 64 : i32
      %dma_wait3A_156 = tpu.memref_slice %arg4[%select_n3A, %dma_wait3A_155] : memref<51200x128xf32, #tpu.memory_space<hbm>> -> memref<400x32xf32, #tpu.memory_space<hbm>>
      %dma_wait3A_157 = arith.constant 800 : i32
      %dma_wait3A_158 = arith.constant 0 : i32
      %dma_wait3A_159 = tpu.memref_slice %arg6[%dma_wait3A_157, %dma_wait3A_158] : memref<1600x32xf32, #tpu.memory_space<vmem>> -> memref<400x32xf32, #tpu.memory_space<vmem>>
      tpu.wait_dma2 semaphore(%arg8 : memref<!tpu.dma_semaphore, #tpu.memory_space<semaphore_mem>>) src(%dma_wait3A_159 : memref<400x32xf32, #tpu.memory_space<vmem>>) dst(%dma_wait3A_156 : memref<400x32xf32, #tpu.memory_space<hbm>>)
      %dma_wait3A_160 = arith.constant 1200 : i32
      %dma_wait3A_161 = arith.constant 0 : i32
      %dma_wait3A_162 = tpu.memref_slice %arg6[%dma_wait3A_160, %dma_wait3A_161] : memref<1600x32xf32, #tpu.memory_space<vmem>> -> memref<400x32xf32, #tpu.memory_space<vmem>>
      %dma_wait3A_163 = arith.constant 96 : i32
      %dma_wait3A_164 = tpu.memref_slice %arg4[%select_n3A, %dma_wait3A_163] : memref<51200x128xf32, #tpu.memory_space<hbm>> -> memref<400x32xf32, #tpu.memory_space<hbm>>
      %dma_wait3A_165 = arith.constant 96 : i32
      %dma_wait3A_166 = tpu.memref_slice %arg4[%select_n3A, %dma_wait3A_165] : memref<51200x128xf32, #tpu.memory_space<hbm>> -> memref<400x32xf32, #tpu.memory_space<hbm>>
      %dma_wait3A_167 = arith.constant 1200 : i32
      %dma_wait3A_168 = arith.constant 0 : i32
      %dma_wait3A_169 = tpu.memref_slice %arg6[%dma_wait3A_167, %dma_wait3A_168] : memref<1600x32xf32, #tpu.memory_space<vmem>> -> memref<400x32xf32, #tpu.memory_space<vmem>>
      tpu.wait_dma2 semaphore(%arg8 : memref<!tpu.dma_semaphore, #tpu.memory_space<semaphore_mem>>) src(%dma_wait3A_169 : memref<400x32xf32, #tpu.memory_space<vmem>>) dst(%dma_wait3A_166 : memref<400x32xf32, #tpu.memory_space<hbm>>)
    }
    %scan3A_7 = arith.constant 4 : i32
    return
  }
}

module attributes {stable_mosaic.version = 14 : i64} {
  func.func @mm_k(%arg0: i32, %arg1: memref<400x128xf32, #tpu.memory_space<vmem>>, %arg2: memref<128x512xf32, #tpu.memory_space<vmem>>, %arg3: memref<1600x128xf32, #tpu.memory_space<vmem>>) attributes {dimension_semantics = [#tpu.dimension_semantics<arbitrary>], iteration_bounds = array<i64: 128>, scalar_prefetch = 0 : i64, scratch_operands = 0 : i64, tpu.core_type = #tpu.core_type<tc>, window_params = [{transform_indices = @transform_0, window_bounds = array<i64: 400, 128>}, {pipeline_mode = #tpu.pipeline_mode<synchronous>, transform_indices = @transform_1, window_bounds = array<i64: 128, 512>}, {transform_indices = @transform_2, window_bounds = array<i64: 1600, 128>}]} {
    %get3A = arith.constant 0 : index
    %get3A_0 = arith.constant 0 : index
    %get3A_1 = vector.load %arg1[%get3A, %get3A_0] : memref<400x128xf32, #tpu.memory_space<vmem>>, vector<400x128xf32>
    %get3A_2 = arith.constant 0 : index
    %get3A_3 = arith.constant 0 : index
    %get3A_4 = vector.load %arg2[%get3A_2, %get3A_3] : memref<128x512xf32, #tpu.memory_space<vmem>>, vector<128x512xf32>
    %dot_general3A = arith.constant dense<0.000000e+00> : vector<400x512xf32>
    %dot_general3A_5 = tpu.matmul %get3A_1, %get3A_4, %dot_general3A {dimension_numbers = #tpu.dot_dimension_numbers<[1], [0], [0], [1], [0, 0, 1, 1], [], []>, transpose_lhs_hint = false} : vector<400x128xf32>, vector<128x512xf32>, vector<400x512xf32> -> vector<400x512xf32>
    %slice3A = vector.extract_strided_slice %dot_general3A_5 {offsets = [0, 0], sizes = [400, 128], strides = [1, 1]} : vector<400x512xf32> to vector<400x128xf32>
    %swap3A = arith.constant 0 : index
    %swap3A_6 = arith.constant 0 : index
    %swap3A_7 = vector.load %arg3[%swap3A, %swap3A_6] : memref<1600x128xf32, #tpu.memory_space<vmem>>, vector<400x128xf32>
    tpu.vector_store %arg3[%swap3A, %swap3A_6], %slice3A {strides = array<i32>} : memref<1600x128xf32, #tpu.memory_space<vmem>>, vector<400x128xf32>,
    %slice3A_8 = vector.extract_strided_slice %dot_general3A_5 {offsets = [0, 128], sizes = [400, 128], strides = [1, 1]} : vector<400x512xf32> to vector<400x128xf32>
    %swap3A_9 = arith.constant 400 : index
    %swap3A_10 = arith.constant 0 : index
    %swap3A_11 = vector.load %arg3[%swap3A_9, %swap3A_10] : memref<1600x128xf32, #tpu.memory_space<vmem>>, vector<400x128xf32>
    tpu.vector_store %arg3[%swap3A_9, %swap3A_10], %slice3A_8 {strides = array<i32>} : memref<1600x128xf32, #tpu.memory_space<vmem>>, vector<400x128xf32>,
    %slice3A_12 = vector.extract_strided_slice %dot_general3A_5 {offsets = [0, 256], sizes = [400, 128], strides = [1, 1]} : vector<400x512xf32> to vector<400x128xf32>
    %swap3A_13 = arith.constant 800 : index
    %swap3A_14 = arith.constant 0 : index
    %swap3A_15 = vector.load %arg3[%swap3A_13, %swap3A_14] : memref<1600x128xf32, #tpu.memory_space<vmem>>, vector<400x128xf32>
    tpu.vector_store %arg3[%swap3A_13, %swap3A_14], %slice3A_12 {strides = array<i32>} : memref<1600x128xf32, #tpu.memory_space<vmem>>, vector<400x128xf32>,
    %slice3A_16 = vector.extract_strided_slice %dot_general3A_5 {offsets = [0, 384], sizes = [400, 128], strides = [1, 1]} : vector<400x512xf32> to vector<400x128xf32>
    %swap3A_17 = arith.constant 1200 : index
    %swap3A_18 = arith.constant 0 : index
    %swap3A_19 = vector.load %arg3[%swap3A_17, %swap3A_18] : memref<1600x128xf32, #tpu.memory_space<vmem>>, vector<400x128xf32>
    tpu.vector_store %arg3[%swap3A_17, %swap3A_18], %slice3A_16 {strides = array<i32>} : memref<1600x128xf32, #tpu.memory_space<vmem>>, vector<400x128xf32>,
    return
  }
  func.func @transform_0(%arg0: i32) -> (i32, i32) {
    %c0_i32 = arith.constant 0 : i32
    %c0_i32_0 = arith.constant 0 : i32
    return %arg0, %c0_i32 : i32, i32
  }
  func.func @transform_1(%arg0: i32) -> (i32, i32) {
    %c0_i32 = arith.constant 0 : i32
    %c0_i32_0 = arith.constant 0 : i32
    %c0_i32_1 = arith.constant 0 : i32
    return %c0_i32, %c0_i32_0 : i32, i32
  }
  func.func @transform_2(%arg0: i32) -> (i32, i32) {
    %c0_i32 = arith.constant 0 : i32
    %c0_i32_0 = arith.constant 0 : i32
    return %arg0, %c0_i32 : i32, i32
  }
}

</mosaic_0001>

<sc_bundles>
// kernel: kernel.4.cloned.1.call-start
scs
__scs_entry_jumppad:
0x0: {  	(pc) =	sbr.rel $0x88, $3  }
0x1: {  	(tag) =	ssettag $0x0;
	lr =	simm.s32 $0x1  }
0x2: {  	[smem:$0x3F9E] =	sst lr;
	_ =	strace $0xD0000000  }
0x3: {  	_ = 	snop  }
0x4: {  	_ = 	snop  }
0x5: {  	_ = 	snop  }
0x6: {  	_ = 	snop  }
0x7: {  	_ = 	snop  }
__scs_overlays_trampoline_lowered:
0x8: {  	[smem:$0x3FAD] =	sst s0  }
0x9: {  	[smem:$0x3FAE] =	sst s1  }
0xa: {  	[smem:$0x3FAF] =	sst s2  }
0xb: {  	[smem:$0x3FB0] =	sst s3  }
0xc: {  	[smem:$0x3FB1] =	sst s4  }
0xd: {  	[smem:$0x3FB2] =	sst s5  }
0xe: {  	[smem:$0x3FB3] =	sst s6  }
0xf: {  	[smem:$0x3FB4] =	sst s7  }
0x10: {  	[smem:$0x3FB5] =	sst s8  }
0x11: {  	[smem:$0x3FB6] =	sst s9;
	s0 =	simm.s32 @!p0 $0x0  }
0x12: {  	s1 =	sld [smem:$0x3F9C];
	s0 =	simm.s32 @p0 $0x1  }
0x13: {  	[smem:$0x3FB7] =	sst s0;
	s0 =	simm.s32 @!p1 $0x0  }
0x14: {  	s2 =	sld [smem:$0x3F9B];
	s0 =	simm.s32 @p1 $0x1  }
0x15: {  	[smem:$0x3FB8] =	sst s0;
	s0 =	simm.s32 @!p2 $0x0  }
0x16: {  	s3 =	sld [smem:$0x3FDB];
	s0 =	simm.s32 @p2 $0x1  }
0x17: {  	s4 =	simm.s32 $0x1BF5;
	[smem:$0x3FBA] =	sst s0  }
0x18: {  	s0 =	sld [smem:$0x3F9D];
	_ =	swait.ge [sflag:s4], $0x0  }
0x19: {  	s7 =	sld [smem:$0x3F9E]  }
0x1a: {  	s8 =	sadd.s32 $0xFFFFE003, lr  }
0x1b: {  	s9 =	sadd.s32 $0xFFFFFEF7, lr;
	s5 =	simm.s32 $0xFFFFFFFF;
	p2 =	slt.u32 s8, $0xFFFFF086  }
0x1c: {  	p1 =	slt.u32 s9, $0xF7A;
	s5 =	simm.s32 @!p2 $0x0  }
0x1d: {  	s5 =	simm.s32 @p1 $0x1;
	p0 =	seq.s32 s7, s2  }
0x1e: {  	s7 =	smul.u32 @!p0 $0xF7A, s2;
	p2 =	seq.s32 @!p0 s5, $0x0  }
0x1f: {  	s9 =	smul.u32 $0xF7A, s1;
	s8 =	simm.s32 @!p0 $0x1BF5;
	p2 =	por !p2, p0  }
0x20: {  	[sflag:s8] =	ssyncset.s32 @!p0 $0xFFFFF086;
	s6 =	sadd.s32 @!p0 s3, s7;
	s7 =	simm.s32 @!p0 $0x108  }
0x21: {  	s3 =	sadd.s32 s3, s9;
	s6 =	sadd.s32 @!p0 $0x88, s6;
	s7 =	simm.s32 @p2 $0x1082  }
0x22: {  	[simem:s7], [sflag:s8] =	dma.local @!p0 [hbm:s6], $0xF7A  }
0x23: {  	s9 =	sor.u32 $0xD0000000, s2;
	s6 =	simm.s32 $0x108;
	_ =	swait.ge @!p0 [sflag:s8], $0x0  }
0x24: {  	s3 =	sadd.s32 $0x88, s3;
	s6 =	simm.s32 @!p1 $0x1082;
	[sflag:s4] =	ssyncset.s32 $0xFFFFF086  }
0x25: {  	[simem:s6], [sflag:s4] =	dma.local [hbm:s3], $0xF7A  }
0x26: {  	[smem:$0x3F9E] =	sst s1;
	(tag) =	ssettag s2;
	_ =	strace s9  }
0x27: {  	s1 =	sld [smem:$0x3FAE]  }
0x28: {  	s2 =	sld [smem:$0x3FAF]  }
0x29: {  	s4 =	sld [smem:$0x3FB1]  }
0x2a: {  	p0 =	seq.s32 s5, $0x0;
	s5 =	sld [smem:$0x3FB2]  }
0x2b: {  	s6 =	sld [smem:$0x3FB3]  }
0x2c: {  	s7 =	sld [smem:$0x3FB4]  }
0x2d: {  	s3 =	simm.s32 $0x108;
	s8 =	sld [smem:$0x3FB5]  }
0x2e: {  	s3 =	simm.s32 @!p0 $0x1082;
	s9 =	sld [smem:$0x3FB6]  }
0x2f: {  	lr =	sadd.s32 s0, s3;
	s0 =	sld [smem:$0x3FAD]  }
0x30: {  	s3 =	sld [smem:$0x3FB0]  }
0x31: {  	[smem:$0x3FB9] =	sst s10  }
0x32: {  	s10 =	sld [smem:$0x3FB7];
	_ =	sdelay $0x3  }
0x33: {  	p0 =	seq.s32 s10, $0x1;
	s10 =	sld [smem:$0x3FB9];
	_ =	sdelay $0x3  }
0x34: {  	[smem:$0x3FB9] =	sst s10  }
0x35: {  	s10 =	sld [smem:$0x3FB8];
	_ =	sdelay $0x3  }
0x36: {  	p1 =	seq.s32 s10, $0x1;
	s10 =	sld [smem:$0x3FB9];
	_ =	sdelay $0x3  }
0x37: {  	[smem:$0x3FB9] =	sst s10  }
0x38: {  	s10 =	sld [smem:$0x3FBA]  }
0x39: {  	_ = 	snop;
	(pc) =	sbr.ind lr, $3  }
0x3a: {  	_ = 	snop  }
0x3b: {  	_ = 	snop  }
0x3c: {  	p2 =	seq.s32 s10, $0x1;
	s10 =	sld [smem:$0x3FB9]  }
0x3d: {  	_ =	shalt  }
0x3e: {  	_ =	shalt  }
0x3f: {  	_ =	shalt  }
0x40: {  	_ =	shalt  }
0x41: {  	_ =	shalt  }
0x42: {  	_ =	shalt  }
0x43: {  	_ =	shalt  }
0x44: {  	_ =	shalt  }
0x45: {  	_ =	shalt  }
0x46: {  	_ =	shalt  }
0x47: {  	_ =	shalt  }
0x48: {  	_ =	shalt  }
0x49: {  	_ =	shalt  }
0x4a: {  	_ =	shalt  }
0x4b: {  	_ =	shalt  }
0x4c: {  	_ =	shalt  }
0x4d: {  	_ =	shalt  }
0x4e: {  	_ =	shalt  }
0x4f: {  	_ =	shalt  }
0x50: {  	_ =	shalt  }
0x51: {  	_ =	shalt  }
0x52: {  	_ =	shalt  }
0x53: {  	_ =	shalt  }
0x54: {  	_ =	shalt  }
0x55: {  	_ =	shalt  }
0x56: {  	_ =	shalt  }
0x57: {  	_ =	shalt  }
0x58: {  	_ =	shalt  }
0x59: {  	_ =	shalt  }
0x5a: {  	_ =	shalt  }
0x5b: {  	_ =	shalt  }
0x5c: {  	_ =	shalt  }
0x5d: {  	_ =	shalt  }
0x5e: {  	_ =	shalt  }
0x5f: {  	_ =	shalt  }
0x60: {  	_ =	shalt  }
0x61: {  	_ =	shalt  }
0x62: {  	_ =	shalt  }
0x63: {  	_ =	shalt  }
0x64: {  	_ =	shalt  }
0x65: {  	_ =	shalt  }
0x66: {  	_ =	shalt  }
0x67: {  	_ =	shalt  }
0x68: {  	_ =	shalt  }
0x69: {  	_ =	shalt  }
0x6a: {  	_ =	shalt  }
0x6b: {  	_ =	shalt  }
0x6c: {  	_ =	shalt  }
0x6d: {  	_ =	shalt  }
0x6e: {  	_ =	shalt  }
0x6f: {  	_ =	shalt  }
0x70: {  	_ =	shalt  }
0x71: {  	_ =	shalt  }
0x72: {  	_ =	shalt  }
0x73: {  	_ =	shalt  }
0x74: {  	_ =	shalt  }
0x75: {  	_ =	shalt  }
0x76: {  	_ =	shalt  }
0x77: {  	_ =	shalt  }
0x78: {  	_ =	shalt  }
0x79: {  	_ =	shalt  }
0x7a: {  	_ =	shalt  }
0x7b: {  	_ =	shalt  }
0x7c: {  	_ =	shalt  }
0x7d: {  	_ =	shalt  }
0x7e: {  	_ =	shalt  }
0x7f: {  	_ =	shalt  }
0x80: {  	_ =	shalt  }
0x81: {  	_ =	shalt  }
0x82: {  	_ =	shalt  }
0x83: {  	_ =	shalt  }
0x84: {  	_ =	shalt  }
0x85: {  	_ =	shalt  }
0x86: {  	_ =	shalt  }
0x87: {  	_ =	shalt  }
.Lfunc_end0:
.L_simem_size_0:
called_computation_lowered:
.L_overlay_start_0:
0x88: {  	s2 =	sld [smem:$0x3FD9]  }
0x89: {  	s3 =	sld [smem:$0x3FFE];
	_ =	sdelay $0x1  }
0x8a: {  	s1 =	srdreg.scid  }
0x8b: {  	s0 =	sand.u32 $0x1, s1  }
0x8c: {  	s17 =	sshll.u32 s0, $0xA;
	s2 =	sadd.s32 s3, s2  }
0x8d: {  	s2 =	sadd.s32 s2, s17  }
0x8e: {  	[smem:$0x3FC5] =	sst s2  }
0x8f: {  	_ = 	snop  }
0x90: {  	s2 =	sld [smem:$0x3FD0];
	(tm) =	ssettm $0x1  }
0x91: {  	s18 =	sld [smem:$0x3FFB];
	_ =	sdelay $0x3  }
0x92: {  	_ =	strace s18  }
0x93: {  	s3 =	sld [smem:$0x3FFC];
	_ =	sdelay $0x3  }
0x94: {  	_ =	strace s3  }
0x95: {  	s3 =	sld [smem:$0x3FFD];
	_ =	sdelay $0x3  }
0x96: {  	_ =	strace s3  }
0x97: {  	_ =	strace $0x8FFFFFFF  }
0x98: {  	s19 =	sld [smem:$0x3FDB];
	_ =	sdelay $0x1  }
0x99: {  	s4 =	simm.s32 $_scs_section_size  }
0x9a: {  	s5 =	simm.s32 $_size__tile_overlayer_lowered;
	s6 =	simm.s32 $_tile_overlayer_lowered  }
0x9b: {  	s22 =	simm.s32 $0x1BFF;
	s21 =	sshll.u32 s6, $0x1;
	s3 =	sadd.s32 s4, s19  }
0x9c: {  	s7 =	simm.s32 $0x0;
	s20 =	sshll.u32 s5, $0x1;
	s5 =	sadd.s32 s21, s3  }
0x9d: {  	[timem:s7], [sflag:s22] =	dma.local [hbm:s5], s20  }
0x9e: {  	_ =	swait.ge [sflag:s22], s20  }
0x9f: {  	s4 =	ssub.s32 $0x0, s20;
	[sflag:s22] =	ssyncset.done $0x0  }
0xa0: {  	[sflag:s22] =	ssyncadd.s32 s4;
	_ =	sdelay $0x1  }
0xa1: {  	s23 =	simm.s32 $0x1B8B  }
0xa2: {  	_ =	swait.ge [sflag:s23], $0x1  }
0xa3: {  	[sflag:s23] =	ssyncset.done $0x0  }
0xa4: {  	s25 =	simm.s32 $0x1B8E;
	s24 =	sld [smem:$0x3FFE];
	[sflag:s23] =	ssyncadd.s32 $0xFFFFFFFF  }
0xa5: {  	s26 =	simm.s32 $execute0_lowered;
	[smem:$0x3FD2] =	sst s25  }
0xa6: {  	s5 =	sshll.u32 s26, $0x1;
	_ =	strace $0x80000046;
	[dreg:$0x1] =	wrdreg $0xFFFFFFFF  }
0xa7: {  	s28 =	simm.s32 $_size_execute0_lowered;
	s3 =	sadd.s32 s3, s5;
	[dreg:$0x0] =	wrdreg $0x0  }
0xa8: {  	s5 =	sshll.u32 s28, $0x1;
	[dreg:$0x2] =	wrdreg s3  }
0xa9: {  	[dreg:$0x3] =	wrdreg s5  }
0xaa: {  	[dreg:$0x4] =	wrdreg $0xC0  }
0xab: {  	_ =	task [dreg:s7], $0x5FFFF  }
0xac: {  	[dreg:$0x1] =	wrdreg $0xFFFFFFFF  }
0xad: {  	[dreg:$0x0] =	wrdreg $0x60  }
0xae: {  	[dreg:$0x2] =	wrdreg s24  }
0xaf: {  	[dreg:$0x3] =	wrdreg s2  }
0xb0: {  	[dreg:$0x4] =	wrdreg $0x9  }
0xb1: {  	_ =	task.clear_ibuf [dreg:s7], $0x5FFFF;
	_ =	strace $0x90000046  }
0xb2: {  	s29 =	simm.s32 $0x9;
	_ =	strace $0x80000048  }
0xb3: {  	_ =	swait.ge [sflag:s29], $0x1  }
0xb4: {  	[sflag:s29] =	ssyncadd.s32 $0xFFFFFFFF  }
0xb5: {  	_ =	strace $0x90000048  }
0xb6: {  	_ =	sfence  }
0xb7: {  	s30 =	sld [smem:$0x0];
	_ =	sdelay $0x2  }
0xb8: {  	s31 =	sshll.u32 s1, $0xD;
	s1 =	sshrl.u32 s1, $0x2  }
0xb9: {  	s3 =	sand.u32 $0x4000, s31;
	s1 =	sadd.s32 s1, s30  }
0xba: {  	s0 =	sor.u32 s3, s0;
	s1 =	sshll.u32 s1, $0x11  }
0xbb: {  	s0 =	sor.u32 s1, s0  }
0xbc: {  	s0 =	sadd.s32 $0x8F2B, s0  }
0xbd: {  	[sflag:s0] =	ssyncadd.remote.s32 $0x1  }
0xbe: {  	_ =	sfence.sel $0xFFFF  }
0xbf: {  	[dreg:$0x0] =	wrdreg $0xFFFFFFFF;
	(pc) =	sbr.abs _section_cstart, $3  }
0xc0: {  	[dreg:$0x1] =	wrdreg $0xFFFFFFFF  }
0xc1: {  	_ =	task.clear_ibuf [dreg:s7], $0x2FFFF;
	_ =	strace $0x9FFFFFFF  }
0xc2: {  	(tm) =	ssettm $0x7FFFFFFF  }
0xc3: {  	_ =	shalt  }
tec
execute0_lowered:
.L_overlay_start_1:
0x0: {  	(tag) =	ssettag $0x1  }
0x1: {  	s4 =	rddreg [dreg:$0x0]  }
0x2: {  	s6 =	rddreg [dreg:$0x1]  }
0x3: {  	s0 =	rddreg [dreg:$0x2];
	s1 =	stileid.u32  }
0x4: {  	s2 =	simm.s32 $0x0;
	s3 =	srdreg.scid;
	s12 =	simm.s32 $0x6A40  }
0x5: {  	s13 =	simm.s32 $0x4B0;
	s14 =	simm.s32 $0x9C40;
	s15 =	simm.s32 $0x1  }
0x6: {  	s16 =	simm.s32 $0x20;
	s17 =	simm.s32 $0x80;
	s5 =	smul.u32 $0xC800, s1  }
0x7: {  	s18 =	simm.s32 $0x2;
	s7 =	sand.u32 $0x1, s3;
	s8 =	smul.u32 $0x3200, s1  }
0x8: {  	s19 =	simm.s32 $0x0;
	[smem:$0x7FF] =	sst s2;
	s10 =	smul.u32 $0x1900, s7  }
0x9: {  	s3 =	sadd.s32 $0xF42C00, s4;
	s9 =	ssub.s32 $0x2, s7;
	s7 =	smul.u32 $0x6400, s7  }
0xa: {  	_ =	strace $0x80000047;
	s11 =	sshrl.u32 s9, $0x1;
	s5 =	sadd.s32 s5, s4  }
0xb: {  	s30 =	ssub.s32 s9, s11;
	s8 =	sadd.s32 s10, s8;
	s5 =	sadd.s32 s7, s5  }
0xc: {  	s7 =	simm.s32 $0x3;
	s9 =	simm.s32 $0x640;
	s10 =	simm.s32 $0x3840  }
0xd: {  	s11 =	simm.s32 $0x320;
	s4 =	smax.u32 s30, $0x1;
	s31 =	sshrl.u32 s8, $0x3  }
0xe: {  	s5 =	sadd.s32 $0x800, s5;
	s8 =	simm.s32 $0x190;
	s6 =	sadd.s32 s31, s6  }
.LBB2_1:
0xf: {  	[tilespmem:s2], [sflag:$0x3] =	stream.linear.gather [hbm4b:s6+s2], $0x640, $0x38;
	[tilespmem:$0xCE40] =	vst v63  }
0x10: {  	_ =	swait.ge [sflag:s7], $0x640  }
0x11: {  	[sflag:s7] =	ssyncset.done $0x0  }
0x12: {  	[sflag:s7] =	ssyncadd.s32 $0xFFFFF9C0  }
0x13: {  	[tilespmem:s9], [sflag:$0x1] =	stream.indirect.gather [hbm4b:s3+s8], $0x20, s2, s8, $0xb8;
	[tilespmem:$0xCE40] =	vst v63  }
0x14: {  	_ = 	snop  }
0x15: {  	[tilespmem:s10], [sflag:$0x1] =	stream.indirect.gather [hbm4b:s3+s8], $0x20, s8, s8, $0xb8;
	[tilespmem:$0xCE40] =	vst v63  }
0x16: {  	_ = 	snop  }
0x17: {  	[tilespmem:s12], [sflag:$0x1] =	stream.indirect.gather [hbm4b:s3+s8], $0x20, s11, s8, $0xb8;
	[tilespmem:$0xCE40] =	vst v63  }
0x18: {  	_ = 	snop  }
0x19: {  	[tilespmem:s14], [sflag:$0x1] =	stream.indirect.gather [hbm4b:s3+s8], $0x20, s13, s8, $0xb8;
	[tilespmem:$0xCE40] =	vst v63  }
0x1a: {  	_ =	swait.ge [sflag:s15], $0x3200  }
0x1b: {  	[sflag:s15] =	ssyncset.done $0x0  }
0x1c: {  	[sflag:s15] =	ssyncadd.s32 $0xFFFFCE00  }
0x1d: {  	_ =	swait.ge [sflag:s15], $0x3200  }
0x1e: {  	[sflag:s15] =	ssyncset.done $0x0  }
0x1f: {  	[sflag:s15] =	ssyncadd.s32 $0xFFFFCE00  }
0x20: {  	_ =	swait.ge [sflag:s15], $0x3200  }
0x21: {  	[sflag:s15] =	ssyncset.done $0x0  }
0x22: {  	[sflag:s15] =	ssyncadd.s32 $0xFFFFCE00  }
0x23: {  	_ =	swait.ge [sflag:s15], $0x3200  }
0x24: {  	[sflag:s15] =	ssyncset.done $0x0  }
0x25: {  	s20 =	sadd.s32 $0x0, s5;
	[sflag:s15] =	ssyncadd.s32 $0xFFFFCE00  }
0x26: {  	[hbm4b:s20+s16] =	stream.strided.scatter [tilespmem:s9], [sflag:$0x2], $0x3200, s17, s16, $0x38;
	[tilespmem:$0xCE40] =	vst v63  }
0x27: {  	s21 =	sadd.s32 $0x4, s20  }
0x28: {  	[hbm4b:s21+s16] =	stream.strided.scatter [tilespmem:s10], [sflag:$0x2], $0x3200, s17, s16, $0x38;
	[tilespmem:$0xCE40] =	vst v63  }
0x29: {  	s31 =	sadd.s32 $0x8, s20  }
0x2a: {  	[hbm4b:s31+s16] =	stream.strided.scatter [tilespmem:s12], [sflag:$0x2], $0x3200, s17, s16, $0x38;
	[tilespmem:$0xCE40] =	vst v63  }
0x2b: {  	s20 =	sadd.s32 $0xC, s20  }
0x2c: {  	[hbm4b:s20+s16] =	stream.strided.scatter [tilespmem:s14], [sflag:$0x2], $0x3200, s17, s16, $0x38;
	[tilespmem:$0xCE40] =	vst v63  }
0x2d: {  	_ =	swait.ge [sflag:s18], $0x3200  }
0x2e: {  	[sflag:s18] =	ssyncset.done $0x0  }
0x2f: {  	[sflag:s18] =	ssyncadd.s32 $0xFFFFCE00  }
0x30: {  	_ =	swait.ge [sflag:s18], $0x3200  }
0x31: {  	[sflag:s18] =	ssyncset.done $0x0  }
0x32: {  	[sflag:s18] =	ssyncadd.s32 $0xFFFFCE00  }
0x33: {  	_ =	swait.ge [sflag:s18], $0x3200  }
0x34: {  	[sflag:s18] =	ssyncset.done $0x0  }
0x35: {  	[sflag:s18] =	ssyncadd.s32 $0xFFFFCE00  }
0x36: {  	_ =	swait.ge [sflag:s18], $0x3200  }
0x37: {  	s21 =	smov.u32 s6;
	s20 =	simm.s32 $0x1900;
	[sflag:s18] =	ssyncset.done $0x0  }
.LBB2_2:
0x38: {  	p0 =	sne.s32 s20, $0x4B00;
	[sflag:s18] =	ssyncadd.s32 $0xFFFFCE00;
	s21 =	sadd.s32 $0xC8, s21  }
0x39: {  	[tilespmem:s2], [sflag:$0x3] =	stream.linear.gather [hbm4b:s21+s2], $0x640, $0x38;
	[tilespmem:$0xCE40] =	vst v63  }
0x3a: {  	s22 =	smov.u32 s20;
	s20 =	sadd.s32 $0x1900, s20;
	_ =	swait.ge [sflag:s7], $0x640  }
0x3b: {  	[sflag:s7] =	ssyncset.done $0x0  }
0x3c: {  	[sflag:s7] =	ssyncadd.s32 $0xFFFFF9C0  }
0x3d: {  	[tilespmem:s9], [sflag:$0x1] =	stream.indirect.gather [hbm4b:s3+s8], $0x20, s2, s8, $0xb8;
	[tilespmem:$0xCE40] =	vst v63  }
0x3e: {  	_ = 	snop  }
0x3f: {  	[tilespmem:s10], [sflag:$0x1] =	stream.indirect.gather [hbm4b:s3+s8], $0x20, s8, s8, $0xb8;
	[tilespmem:$0xCE40] =	vst v63  }
0x40: {  	_ = 	snop  }
0x41: {  	[tilespmem:s12], [sflag:$0x1] =	stream.indirect.gather [hbm4b:s3+s8], $0x20, s11, s8, $0xb8;
	[tilespmem:$0xCE40] =	vst v63  }
0x42: {  	_ = 	snop  }
0x43: {  	[tilespmem:s14], [sflag:$0x1] =	stream.indirect.gather [hbm4b:s3+s8], $0x20, s13, s8, $0xb8;
	[tilespmem:$0xCE40] =	vst v63  }
0x44: {  	_ =	swait.ge [sflag:s15], $0x3200  }
0x45: {  	[sflag:s15] =	ssyncset.done $0x0  }
0x46: {  	[sflag:s15] =	ssyncadd.s32 $0xFFFFCE00  }
0x47: {  	_ =	swait.ge [sflag:s15], $0x3200  }
0x48: {  	[sflag:s15] =	ssyncset.done $0x0  }
0x49: {  	[sflag:s15] =	ssyncadd.s32 $0xFFFFCE00  }
0x4a: {  	_ =	swait.ge [sflag:s15], $0x3200  }
0x4b: {  	[sflag:s15] =	ssyncset.done $0x0  }
0x4c: {  	[sflag:s15] =	ssyncadd.s32 $0xFFFFCE00  }
0x4d: {  	_ =	swait.ge [sflag:s15], $0x3200  }
0x4e: {  	[sflag:s15] =	ssyncset.done $0x0  }
0x4f: {  	s22 =	sadd.s32 s22, s5;
	[sflag:s15] =	ssyncadd.s32 $0xFFFFCE00  }
0x50: {  	[hbm4b:s22+s16] =	stream.strided.scatter [tilespmem:s9], [sflag:$0x2], $0x3200, s17, s16, $0x38;
	[tilespmem:$0xCE40] =	vst v63  }
0x51: {  	s23 =	sadd.s32 $0x4, s22  }
0x52: {  	[hbm4b:s23+s16] =	stream.strided.scatter [tilespmem:s10], [sflag:$0x2], $0x3200, s17, s16, $0x38;
	[tilespmem:$0xCE40] =	vst v63  }
0x53: {  	s23 =	sadd.s32 $0x8, s22  }
0x54: {  	[hbm4b:s23+s16] =	stream.strided.scatter [tilespmem:s12], [sflag:$0x2], $0x3200, s17, s16, $0x38;
	[tilespmem:$0xCE40] =	vst v63  }
0x55: {  	s22 =	sadd.s32 $0xC, s22  }
0x56: {  	[hbm4b:s22+s16] =	stream.strided.scatter [tilespmem:s14], [sflag:$0x2], $0x3200, s17, s16, $0x38;
	[tilespmem:$0xCE40] =	vst v63  }
0x57: {  	_ =	swait.ge [sflag:s18], $0x3200  }
0x58: {  	[sflag:s18] =	ssyncset.done $0x0  }
0x59: {  	[sflag:s18] =	ssyncadd.s32 $0xFFFFCE00  }
0x5a: {  	_ =	swait.ge [sflag:s18], $0x3200  }
0x5b: {  	[sflag:s18] =	ssyncset.done $0x0  }
0x5c: {  	[sflag:s18] =	ssyncadd.s32 $0xFFFFCE00  }
.Ltmp0:
0x5d: {  	_ =	swait.ge [sflag:s18], $0x3200;
	(pc) =	sbr.rel @p0 .LBB2_2-.Ltmp0, $4  }
0x5e: {  	[sflag:s18] =	ssyncset.done $0x0  }
0x5f: {  	[sflag:s18] =	ssyncadd.s32 $0xFFFFCE00  }
0x60: {  	_ =	swait.ge [sflag:s18], $0x3200  }
0x61: {  	[sflag:s18] =	ssyncset.done $0x0  }
0x62: {  	s19 =	sadd.s32 $0x1, s19  }
0x63: {  	p0 =	sne.s32 s19, s4  }
.Ltmp1:
0x64: {  	_ = 	snop;
	(pc) =	sbr.rel @p0 .LBB2_1-.Ltmp1, $2  }
0x65: {  	_ =	sdelay $0x2  }
0x66: {  	[sflag:s18] =	ssyncadd.s32 $0xFFFFCE00  }
0x67: {  	_ =	sfence.sel $0x180000  }
0x68: {  	[bflag:$0x0] =	sbarrier.arrive $0xFFFF  }
0x69: {  	p0 =	sne.s32 s1, $0x0;
	_ =	strace $0x90000047  }
0x6a: {  	s0 =	sadd.s32 @!p0 $0x100000, s0;
	[bflag:$0x2] =	sbarrier.arrive $0xFFFF  }
0x6b: {  	[sflag:s0] =	ssyncadd.tile.s32 @!p0 $0x1;
	_ =	shalt  }
.Lfunc_end2:
_tile_overlayer_lowered:
.L_overlay_start_2:
0x6c: {  	(tag) =	ssettag $0x2  }
0x6d: {  	s0 =	rddreg [dreg:$0x0];
	s2 =	stileid.u32  }
0x6e: {  	s1 =	rddreg [dreg:$0x1];
	p0 =	sne.s32 s2, $0x0  }
0x6f: {  	s3 =	rddreg [dreg:$0x2];
	[bflag:$0x3] =	sbarrier.arrive $0xFFFF;
	s2 =	simm.s32 @!p0 $0x1C03  }
0x70: {  	[timem:s3], [sflag:s2] =	dma.local @!p0 [hbm:s0], s1  }
0x71: {  	s0 =	simm.s32 @!p0 $0x3  }
0x72: {  	_ =	swait.ge @!p0 [sflag:s0], s1  }
0x73: {  	s1 =	ssub.s32 @!p0 $0x0, s1;
	[sflag:s0] =	ssyncset.done @!p0 $0x0  }
0x74: {  	[sflag:s0] =	ssyncadd.s32 @!p0 s1  }
0x75: {  	[bflag:$0x3] =	sbarrier.arrive $0xFFFF  }
0x76: {  	_ =	shalt  }

</sc_bundles>
